<compile_context>
chip_gen: v7x
topology: tpu7x:2x2x1
jax: 0.10.2.dev20260603
libtpu: 0.0.44.dev20260713+nightly
codegen_flags: <defaults>
</compile_context>

<pallas_src>
import functools

import jax
import jax.numpy as jnp
from jax import lax
from jax.experimental import pallas as pl
from jax.experimental.pallas import tpu as pltpu
from jax.experimental.pallas import tpu_sc as plsc

EMBED_DIM = 128
NUM_WORKERS = 32
CHUNK = 200
NBUF = 4


def kernel(input, table):
    batch, hist = input.shape
    n = batch * hist
    per_w = n // NUM_WORKERS
    n_chunks = per_w // CHUNK
    n_outer = n_chunks // NBUF

    idx = input.astype(jnp.int32)

    mesh = plsc.VectorSubcoreMesh(core_axis_name="c", subcore_axis_name="s")

    @functools.partial(
        pl.kernel,
        mesh=mesh,
        out_type=jax.ShapeDtypeStruct((batch, hist, EMBED_DIM), jnp.float32),
        scratch_types=[pltpu.VMEM((CHUNK,), jnp.int32)] * NBUF
        + [pltpu.VMEM((CHUNK, EMBED_DIM), jnp.float32)] * NBUF
        + [pltpu.SemaphoreType.DMA] * (2 * NBUF),
    )
    def gather_kernel(idx_hbm, table_hbm, out_hbm, *scratch):
        idx_v = scratch[:NBUF]
        rows_v = scratch[NBUF : 2 * NBUF]
        gsem = scratch[2 * NBUF : 3 * NBUF]
        ssem = scratch[3 * NBUF :]
        wid = lax.axis_index("s") * 2 + lax.axis_index("c")
        base = wid * per_w
        row0 = wid * (per_w // CHUNK)

        def start_gather(c, b):
            pltpu.sync_copy(idx_hbm.at[row0 + c], idx_v[b])
            pltpu.async_copy(table_hbm.at[idx_v[b]], rows_v[b], gsem[b])

        for b in range(NBUF):
            start_gather(b, b)

        def body(j, carry):
            for b in range(NBUF):
                c = j * NBUF + b
                pltpu.make_async_copy(
                    table_hbm.at[idx_v[b]], rows_v[b], gsem[b]
                ).wait()
                pltpu.async_copy(
                    rows_v[b], out_hbm.at[row0 + c], ssem[b]
                )
            for b in range(NBUF):
                c = j * NBUF + b

                @pl.when(j < n_outer - 1)
                def _():
                    pltpu.make_async_copy(
                        rows_v[b], out_hbm.at[row0 + c], ssem[b]
                    ).wait()
                    start_gather(c + NBUF, b)

            return carry

        lax.fori_loop(0, n_outer, body, 0)

        for b in range(NBUF):
            pltpu.make_async_copy(
                rows_v[b], out_hbm.at[row0 + n_chunks - NBUF + b], ssem[b]
            ).wait()

    return gather_kernel(idx, table)

# --- scband reference (transcript-rebuilt; emitter-appended) ---
"""Pipeline reference for scband-embedding-23149873725528 (READ-ONLY COPY).

The authoritative reference and input builder live on the scoring server;
editing this copy changes nothing except your own understanding.
"""

import jax, jax.numpy as jnp
import numpy as np

VOCAB = 100000
EMBED_DIM = 128
BATCH = 1024
HIST_LEN = 200

def setup_inputs(seed: int = 0) -> dict:
    key = jax.random.key(seed)
    k_idx, k_tab = jax.random.split(key)
    indices = jax.random.randint(k_idx, (BATCH, HIST_LEN), 0, VOCAB, dtype=jnp.int64 if jax.config.jax_enable_x64 else jnp.int32)
    # pretrained word2vec matrix stand-in (frozen embedding table)
    table = jax.random.normal(k_tab, (VOCAB, EMBED_DIM), dtype=jnp.float32)
    return {"input": indices, "table": table}

def reference(input, table):
    # Faithful translation of nn.Embedding.from_pretrained(weight)(input)
    # -> row gather from the embedding table
    return jnp.take(table, input, axis=0)

if __name__ == "__main__":
    import jax
    _d = setup_inputs()
    print(jax.jit(kernel)(*tuple(_d.values())))

</pallas_src>

<mosaic_0001>
#map = affine_map<(d0, d1) -> (0, 0)>
#map1 = affine_map<(d0, d1) -> (0, 0, 0)>
module attributes {stable_mosaic.version = 14 : i64} {
  func.func @gather_kernel(%arg0: i32, %arg1: i32, %arg2: memref<1024x200xi32, #tpu.memory_space<hbm>>, %arg3: memref<100000x128xf32, #tpu.memory_space<hbm>>, %arg4: memref<1024x200x128xf32, #tpu.memory_space<hbm>>, %arg5: memref<200xi32, #tpu.memory_space<vmem>>, %arg6: memref<200xi32, #tpu.memory_space<vmem>>, %arg7: memref<200xi32, #tpu.memory_space<vmem>>, %arg8: memref<200xi32, #tpu.memory_space<vmem>>, %arg9: memref<200x128xf32, #tpu.memory_space<vmem>>, %arg10: memref<200x128xf32, #tpu.memory_space<vmem>>, %arg11: memref<200x128xf32, #tpu.memory_space<vmem>>, %arg12: memref<200x128xf32, #tpu.memory_space<vmem>>, %arg13: memref<!tpu.dma_semaphore, #tpu.memory_space<semaphore_mem>>, %arg14: memref<!tpu.dma_semaphore, #tpu.memory_space<semaphore_mem>>, %arg15: memref<!tpu.dma_semaphore, #tpu.memory_space<semaphore_mem>>, %arg16: memref<!tpu.dma_semaphore, #tpu.memory_space<semaphore_mem>>, %arg17: memref<!tpu.dma_semaphore, #tpu.memory_space<semaphore_mem>>, %arg18: memref<!tpu.dma_semaphore, #tpu.memory_space<semaphore_mem>>, %arg19: memref<!tpu.dma_semaphore, #tpu.memory_space<semaphore_mem>>, %arg20: memref<!tpu.dma_semaphore, #tpu.memory_space<semaphore_mem>>) attributes {dimension_semantics = [#tpu.dimension_semantics<core_parallel>, #tpu.dimension_semantics<subcore_parallel>], iteration_bounds = array<i64: 2, 16>, scalar_prefetch = 0 : i64, scratch_operands = 16 : i64, tpu.core_type = #tpu.core_type<sc_vector_subcore>, window_params = [{transform_indices = #map}, {transform_indices = #map}, {transform_indices = #map1}]} {
    %mul3A = arith.constant 2 : i32
    %mul3A_0 = arith.muli %arg1, %mul3A : i32
    %add3A = arith.addi %mul3A_0, %arg0 : i32
    %mul3A_1 = arith.constant 6400 : i32
    %mul3A_2 = arith.muli %add3A, %mul3A_1 : i32
    %mul3A_3 = arith.constant 32 : i32
    %mul3A_4 = arith.muli %add3A, %mul3A_3 : i32
    %add3A_5 = arith.constant 0 : i32
    %add3A_6 = arith.addi %mul3A_4, %add3A_5 : i32
    "tpu.region"() ({
      %run_scoped3A = tpu.sem_alloc : memref<!tpu.dma_semaphore, #tpu.memory_space<semaphore_mem>>
      %dma_start3A_83 = arith.constant 0 : i32
      %dma_start3A_84 = tpu.memref_slice %arg2[%add3A_6, %dma_start3A_83] : memref<1024x200xi32, #tpu.memory_space<hbm>> -> memref<1x200xi32, #tpu.memory_space<hbm>>
      %dma_start3A_85 = tpu.memref_squeeze %dma_start3A_84 : memref<1x200xi32, #tpu.memory_space<hbm>> -> memref<200xi32, #tpu.memory_space<hbm>>
      %dma_start3A_86 = arith.constant 0 : i32
      %dma_start3A_87 = tpu.memref_slice %arg2[%add3A_6, %dma_start3A_86] : memref<1024x200xi32, #tpu.memory_space<hbm>> -> memref<1x200xi32, #tpu.memory_space<hbm>>
      %dma_start3A_88 = tpu.memref_squeeze %dma_start3A_87 : memref<1x200xi32, #tpu.memory_space<hbm>> -> memref<200xi32, #tpu.memory_space<hbm>>
      tpu.enqueue_dma source(%dma_start3A_88 : memref<200xi32, #tpu.memory_space<hbm>>) target(%arg5 : memref<200xi32, #tpu.memory_space<vmem>>) target_semaphore(%run_scoped3A : memref<!tpu.dma_semaphore, #tpu.memory_space<semaphore_mem>>)
      %dma_wait3A_89 = arith.constant 0 : i32
      %dma_wait3A_90 = tpu.memref_slice %arg2[%add3A_6, %dma_wait3A_89] : memref<1024x200xi32, #tpu.memory_space<hbm>> -> memref<1x200xi32, #tpu.memory_space<hbm>>
      %dma_wait3A_91 = tpu.memref_squeeze %dma_wait3A_90 : memref<1x200xi32, #tpu.memory_space<hbm>> -> memref<200xi32, #tpu.memory_space<hbm>>
      %dma_wait3A_92 = arith.constant 0 : i32
      %dma_wait3A_93 = tpu.memref_slice %arg2[%add3A_6, %dma_wait3A_92] : memref<1024x200xi32, #tpu.memory_space<hbm>> -> memref<1x200xi32, #tpu.memory_space<hbm>>
      %dma_wait3A_94 = tpu.memref_squeeze %dma_wait3A_93 : memref<1x200xi32, #tpu.memory_space<hbm>> -> memref<200xi32, #tpu.memory_space<hbm>>
      tpu.wait_dma2 semaphore(%run_scoped3A : memref<!tpu.dma_semaphore, #tpu.memory_space<semaphore_mem>>) src(%dma_wait3A_94 : memref<200xi32, #tpu.memory_space<hbm>>) dst(%arg5 : memref<200xi32, #tpu.memory_space<vmem>>)
      tpu.yield
    }) : () -> ()
    %dma_start3A = arith.constant 0 : i32
    %dma_start3A_7 = arith.constant 0 : i32
    %dma_start3A_8 = tpu.memref_slice %arg3[%dma_start3A, %dma_start3A_7] : memref<100000x128xf32, #tpu.memory_space<hbm>> -> memref<100000x128xf32, #tpu.memory_space<hbm>>
    tpu.enqueue_indirect_dma source(%dma_start3A_8 : memref<100000x128xf32, #tpu.memory_space<hbm>>) target(%arg9 : memref<200x128xf32, #tpu.memory_space<vmem>>) offsets(%arg5 : memref<200xi32, #tpu.memory_space<vmem>>) semaphore(%arg13 : memref<!tpu.dma_semaphore, #tpu.memory_space<semaphore_mem>>)
    %add3A_9 = arith.constant 1 : i32
    %add3A_10 = arith.addi %mul3A_4, %add3A_9 : i32
    "tpu.region"() ({
      %run_scoped3A = tpu.sem_alloc : memref<!tpu.dma_semaphore, #tpu.memory_space<semaphore_mem>>
      %dma_start3A_83 = arith.constant 0 : i32
      %dma_start3A_84 = tpu.memref_slice %arg2[%add3A_10, %dma_start3A_83] : memref<1024x200xi32, #tpu.memory_space<hbm>> -> memref<1x200xi32, #tpu.memory_space<hbm>>
      %dma_start3A_85 = tpu.memref_squeeze %dma_start3A_84 : memref<1x200xi32, #tpu.memory_space<hbm>> -> memref<200xi32, #tpu.memory_space<hbm>>
      %dma_start3A_86 = arith.constant 0 : i32
      %dma_start3A_87 = tpu.memref_slice %arg2[%add3A_10, %dma_start3A_86] : memref<1024x200xi32, #tpu.memory_space<hbm>> -> memref<1x200xi32, #tpu.memory_space<hbm>>
      %dma_start3A_88 = tpu.memref_squeeze %dma_start3A_87 : memref<1x200xi32, #tpu.memory_space<hbm>> -> memref<200xi32, #tpu.memory_space<hbm>>
      tpu.enqueue_dma source(%dma_start3A_88 : memref<200xi32, #tpu.memory_space<hbm>>) target(%arg6 : memref<200xi32, #tpu.memory_space<vmem>>) target_semaphore(%run_scoped3A : memref<!tpu.dma_semaphore, #tpu.memory_space<semaphore_mem>>)
      %dma_wait3A_89 = arith.constant 0 : i32
      %dma_wait3A_90 = tpu.memref_slice %arg2[%add3A_10, %dma_wait3A_89] : memref<1024x200xi32, #tpu.memory_space<hbm>> -> memref<1x200xi32, #tpu.memory_space<hbm>>
      %dma_wait3A_91 = tpu.memref_squeeze %dma_wait3A_90 : memref<1x200xi32, #tpu.memory_space<hbm>> -> memref<200xi32, #tpu.memory_space<hbm>>
      %dma_wait3A_92 = arith.constant 0 : i32
      %dma_wait3A_93 = tpu.memref_slice %arg2[%add3A_10, %dma_wait3A_92] : memref<1024x200xi32, #tpu.memory_space<hbm>> -> memref<1x200xi32, #tpu.memory_space<hbm>>
      %dma_wait3A_94 = tpu.memref_squeeze %dma_wait3A_93 : memref<1x200xi32, #tpu.memory_space<hbm>> -> memref<200xi32, #tpu.memory_space<hbm>>
      tpu.wait_dma2 semaphore(%run_scoped3A : memref<!tpu.dma_semaphore, #tpu.memory_space<semaphore_mem>>) src(%dma_wait3A_94 : memref<200xi32, #tpu.memory_space<hbm>>) dst(%arg6 : memref<200xi32, #tpu.memory_space<vmem>>)
      tpu.yield
    }) : () -> ()
    %dma_start3A_11 = arith.constant 0 : i32
    %dma_start3A_12 = arith.constant 0 : i32
    %dma_start3A_13 = tpu.memref_slice %arg3[%dma_start3A_11, %dma_start3A_12] : memref<100000x128xf32, #tpu.memory_space<hbm>> -> memref<100000x128xf32, #tpu.memory_space<hbm>>
    tpu.enqueue_indirect_dma source(%dma_start3A_13 : memref<100000x128xf32, #tpu.memory_space<hbm>>) target(%arg10 : memref<200x128xf32, #tpu.memory_space<vmem>>) offsets(%arg6 : memref<200xi32, #tpu.memory_space<vmem>>) semaphore(%arg14 : memref<!tpu.dma_semaphore, #tpu.memory_space<semaphore_mem>>)
    %add3A_14 = arith.constant 2 : i32
    %add3A_15 = arith.addi %mul3A_4, %add3A_14 : i32
    "tpu.region"() ({
      %run_scoped3A = tpu.sem_alloc : memref<!tpu.dma_semaphore, #tpu.memory_space<semaphore_mem>>
      %dma_start3A_83 = arith.constant 0 : i32
      %dma_start3A_84 = tpu.memref_slice %arg2[%add3A_15, %dma_start3A_83] : memref<1024x200xi32, #tpu.memory_space<hbm>> -> memref<1x200xi32, #tpu.memory_space<hbm>>
      %dma_start3A_85 = tpu.memref_squeeze %dma_start3A_84 : memref<1x200xi32, #tpu.memory_space<hbm>> -> memref<200xi32, #tpu.memory_space<hbm>>
      %dma_start3A_86 = arith.constant 0 : i32
      %dma_start3A_87 = tpu.memref_slice %arg2[%add3A_15, %dma_start3A_86] : memref<1024x200xi32, #tpu.memory_space<hbm>> -> memref<1x200xi32, #tpu.memory_space<hbm>>
      %dma_start3A_88 = tpu.memref_squeeze %dma_start3A_87 : memref<1x200xi32, #tpu.memory_space<hbm>> -> memref<200xi32, #tpu.memory_space<hbm>>
      tpu.enqueue_dma source(%dma_start3A_88 : memref<200xi32, #tpu.memory_space<hbm>>) target(%arg7 : memref<200xi32, #tpu.memory_space<vmem>>) target_semaphore(%run_scoped3A : memref<!tpu.dma_semaphore, #tpu.memory_space<semaphore_mem>>)
      %dma_wait3A_89 = arith.constant 0 : i32
      %dma_wait3A_90 = tpu.memref_slice %arg2[%add3A_15, %dma_wait3A_89] : memref<1024x200xi32, #tpu.memory_space<hbm>> -> memref<1x200xi32, #tpu.memory_space<hbm>>
      %dma_wait3A_91 = tpu.memref_squeeze %dma_wait3A_90 : memref<1x200xi32, #tpu.memory_space<hbm>> -> memref<200xi32, #tpu.memory_space<hbm>>
      %dma_wait3A_92 = arith.constant 0 : i32
      %dma_wait3A_93 = tpu.memref_slice %arg2[%add3A_15, %dma_wait3A_92] : memref<1024x200xi32, #tpu.memory_space<hbm>> -> memref<1x200xi32, #tpu.memory_space<hbm>>
      %dma_wait3A_94 = tpu.memref_squeeze %dma_wait3A_93 : memref<1x200xi32, #tpu.memory_space<hbm>> -> memref<200xi32, #tpu.memory_space<hbm>>
      tpu.wait_dma2 semaphore(%run_scoped3A : memref<!tpu.dma_semaphore, #tpu.memory_space<semaphore_mem>>) src(%dma_wait3A_94 : memref<200xi32, #tpu.memory_space<hbm>>) dst(%arg7 : memref<200xi32, #tpu.memory_space<vmem>>)
      tpu.yield
    }) : () -> ()
    %dma_start3A_16 = arith.constant 0 : i32
    %dma_start3A_17 = arith.constant 0 : i32
    %dma_start3A_18 = tpu.memref_slice %arg3[%dma_start3A_16, %dma_start3A_17] : memref<100000x128xf32, #tpu.memory_space<hbm>> -> memref<100000x128xf32, #tpu.memory_space<hbm>>
    tpu.enqueue_indirect_dma source(%dma_start3A_18 : memref<100000x128xf32, #tpu.memory_space<hbm>>) target(%arg11 : memref<200x128xf32, #tpu.memory_space<vmem>>) offsets(%arg7 : memref<200xi32, #tpu.memory_space<vmem>>) semaphore(%arg15 : memref<!tpu.dma_semaphore, #tpu.memory_space<semaphore_mem>>)
    %add3A_19 = arith.constant 3 : i32
    %add3A_20 = arith.addi %mul3A_4, %add3A_19 : i32
    "tpu.region"() ({
      %run_scoped3A = tpu.sem_alloc : memref<!tpu.dma_semaphore, #tpu.memory_space<semaphore_mem>>
      %dma_start3A_83 = arith.constant 0 : i32
      %dma_start3A_84 = tpu.memref_slice %arg2[%add3A_20, %dma_start3A_83] : memref<1024x200xi32, #tpu.memory_space<hbm>> -> memref<1x200xi32, #tpu.memory_space<hbm>>
      %dma_start3A_85 = tpu.memref_squeeze %dma_start3A_84 : memref<1x200xi32, #tpu.memory_space<hbm>> -> memref<200xi32, #tpu.memory_space<hbm>>
      %dma_start3A_86 = arith.constant 0 : i32
      %dma_start3A_87 = tpu.memref_slice %arg2[%add3A_20, %dma_start3A_86] : memref<1024x200xi32, #tpu.memory_space<hbm>> -> memref<1x200xi32, #tpu.memory_space<hbm>>
      %dma_start3A_88 = tpu.memref_squeeze %dma_start3A_87 : memref<1x200xi32, #tpu.memory_space<hbm>> -> memref<200xi32, #tpu.memory_space<hbm>>
      tpu.enqueue_dma source(%dma_start3A_88 : memref<200xi32, #tpu.memory_space<hbm>>) target(%arg8 : memref<200xi32, #tpu.memory_space<vmem>>) target_semaphore(%run_scoped3A : memref<!tpu.dma_semaphore, #tpu.memory_space<semaphore_mem>>)
      %dma_wait3A_89 = arith.constant 0 : i32
      %dma_wait3A_90 = tpu.memref_slice %arg2[%add3A_20, %dma_wait3A_89] : memref<1024x200xi32, #tpu.memory_space<hbm>> -> memref<1x200xi32, #tpu.memory_space<hbm>>
      %dma_wait3A_91 = tpu.memref_squeeze %dma_wait3A_90 : memref<1x200xi32, #tpu.memory_space<hbm>> -> memref<200xi32, #tpu.memory_space<hbm>>
      %dma_wait3A_92 = arith.constant 0 : i32
      %dma_wait3A_93 = tpu.memref_slice %arg2[%add3A_20, %dma_wait3A_92] : memref<1024x200xi32, #tpu.memory_space<hbm>> -> memref<1x200xi32, #tpu.memory_space<hbm>>
      %dma_wait3A_94 = tpu.memref_squeeze %dma_wait3A_93 : memref<1x200xi32, #tpu.memory_space<hbm>> -> memref<200xi32, #tpu.memory_space<hbm>>
      tpu.wait_dma2 semaphore(%run_scoped3A : memref<!tpu.dma_semaphore, #tpu.memory_space<semaphore_mem>>) src(%dma_wait3A_94 : memref<200xi32, #tpu.memory_space<hbm>>) dst(%arg8 : memref<200xi32, #tpu.memory_space<vmem>>)
      tpu.yield
    }) : () -> ()
    %dma_start3A_21 = arith.constant 0 : i32
    %dma_start3A_22 = arith.constant 0 : i32
    %dma_start3A_23 = tpu.memref_slice %arg3[%dma_start3A_21, %dma_start3A_22] : memref<100000x128xf32, #tpu.memory_space<hbm>> -> memref<100000x128xf32, #tpu.memory_space<hbm>>
    tpu.enqueue_indirect_dma source(%dma_start3A_23 : memref<100000x128xf32, #tpu.memory_space<hbm>>) target(%arg12 : memref<200x128xf32, #tpu.memory_space<vmem>>) offsets(%arg8 : memref<200xi32, #tpu.memory_space<vmem>>) semaphore(%arg16 : memref<!tpu.dma_semaphore, #tpu.memory_space<semaphore_mem>>)
    %scan3A = arith.constant 0 : i32
    %scan3A_24 = arith.constant 0 : i32
    %scan3A_25 = arith.constant 8 : i32
    %scan3A_26 = arith.addi %scan3A_24, %scan3A_25 : i32
    %scan3A_27 = arith.constant 1 : i32
    scf.for %scan3A_83 = %scan3A_24 to %scan3A_26 step %scan3A_27  : i32 {
      %mul3A_84 = arith.constant 4 : i32
      %mul3A_85 = arith.muli %scan3A_83, %mul3A_84 : i32
      %add3A_86 = arith.constant 0 : i32
      %add3A_87 = arith.addi %mul3A_85, %add3A_86 : i32
      %dma_wait3A_88 = arith.constant 0 : i32
      %dma_wait3A_89 = arith.constant 0 : i32
      %dma_wait3A_90 = tpu.memref_slice %arg3[%dma_wait3A_88, %dma_wait3A_89] : memref<100000x128xf32, #tpu.memory_space<hbm>> -> memref<100000x128xf32, #tpu.memory_space<hbm>>
      tpu.wait_indirect_dma semaphore(%arg13 : memref<!tpu.dma_semaphore, #tpu.memory_space<semaphore_mem>>) src(%dma_wait3A_90 : memref<100000x128xf32, #tpu.memory_space<hbm>>) dst(%arg9 : memref<200x128xf32, #tpu.memory_space<vmem>>)
      %add3A_91 = arith.addi %mul3A_4, %add3A_87 : i32
      %dma_start3A_92 = arith.constant 0 : i32
      %dma_start3A_93 = arith.constant 0 : i32
      %dma_start3A_94 = tpu.memref_slice %arg4[%add3A_91, %dma_start3A_92, %dma_start3A_93] : memref<1024x200x128xf32, #tpu.memory_space<hbm>> -> memref<1x200x128xf32, #tpu.memory_space<hbm>>
      %dma_start3A_95 = tpu.memref_squeeze %dma_start3A_94 : memref<1x200x128xf32, #tpu.memory_space<hbm>> -> memref<200x128xf32, #tpu.memory_space<hbm>>
      %dma_start3A_96 = arith.constant 0 : i32
      %dma_start3A_97 = arith.constant 0 : i32
      %dma_start3A_98 = tpu.memref_slice %arg4[%add3A_91, %dma_start3A_96, %dma_start3A_97] : memref<1024x200x128xf32, #tpu.memory_space<hbm>> -> memref<1x200x128xf32, #tpu.memory_space<hbm>>
      %dma_start3A_99 = tpu.memref_squeeze %dma_start3A_98 : memref<1x200x128xf32, #tpu.memory_space<hbm>> -> memref<200x128xf32, #tpu.memory_space<hbm>>
      tpu.enqueue_dma source(%arg9 : memref<200x128xf32, #tpu.memory_space<vmem>>) target(%dma_start3A_99 : memref<200x128xf32, #tpu.memory_space<hbm>>) target_semaphore(%arg17 : memref<!tpu.dma_semaphore, #tpu.memory_space<semaphore_mem>>)
      %mul3A_100 = arith.constant 4 : i32
      %mul3A_101 = arith.muli %scan3A_83, %mul3A_100 : i32
      %add3A_102 = arith.constant 1 : i32
      %add3A_103 = arith.addi %mul3A_101, %add3A_102 : i32
      %dma_wait3A_104 = arith.constant 0 : i32
      %dma_wait3A_105 = arith.constant 0 : i32
      %dma_wait3A_106 = tpu.memref_slice %arg3[%dma_wait3A_104, %dma_wait3A_105] : memref<100000x128xf32, #tpu.memory_space<hbm>> -> memref<100000x128xf32, #tpu.memory_space<hbm>>
      tpu.wait_indirect_dma semaphore(%arg14 : memref<!tpu.dma_semaphore, #tpu.memory_space<semaphore_mem>>) src(%dma_wait3A_106 : memref<100000x128xf32, #tpu.memory_space<hbm>>) dst(%arg10 : memref<200x128xf32, #tpu.memory_space<vmem>>)
      %add3A_107 = arith.addi %mul3A_4, %add3A_103 : i32
      %dma_start3A_108 = arith.constant 0 : i32
      %dma_start3A_109 = arith.constant 0 : i32
      %dma_start3A_110 = tpu.memref_slice %arg4[%add3A_107, %dma_start3A_108, %dma_start3A_109] : memref<1024x200x128xf32, #tpu.memory_space<hbm>> -> memref<1x200x128xf32, #tpu.memory_space<hbm>>
      %dma_start3A_111 = tpu.memref_squeeze %dma_start3A_110 : memref<1x200x128xf32, #tpu.memory_space<hbm>> -> memref<200x128xf32, #tpu.memory_space<hbm>>
      %dma_start3A_112 = arith.constant 0 : i32
      %dma_start3A_113 = arith.constant 0 : i32
      %dma_start3A_114 = tpu.memref_slice %arg4[%add3A_107, %dma_start3A_112, %dma_start3A_113] : memref<1024x200x128xf32, #tpu.memory_space<hbm>> -> memref<1x200x128xf32, #tpu.memory_space<hbm>>
      %dma_start3A_115 = tpu.memref_squeeze %dma_start3A_114 : memref<1x200x128xf32, #tpu.memory_space<hbm>> -> memref<200x128xf32, #tpu.memory_space<hbm>>
      tpu.enqueue_dma source(%arg10 : memref<200x128xf32, #tpu.memory_space<vmem>>) target(%dma_start3A_115 : memref<200x128xf32, #tpu.memory_space<hbm>>) target_semaphore(%arg18 : memref<!tpu.dma_semaphore, #tpu.memory_space<semaphore_mem>>)
      %mul3A_116 = arith.constant 4 : i32
      %mul3A_117 = arith.muli %scan3A_83, %mul3A_116 : i32
      %add3A_118 = arith.constant 2 : i32
      %add3A_119 = arith.addi %mul3A_117, %add3A_118 : i32
      %dma_wait3A_120 = arith.constant 0 : i32
      %dma_wait3A_121 = arith.constant 0 : i32
      %dma_wait3A_122 = tpu.memref_slice %arg3[%dma_wait3A_120, %dma_wait3A_121] : memref<100000x128xf32, #tpu.memory_space<hbm>> -> memref<100000x128xf32, #tpu.memory_space<hbm>>
      tpu.wait_indirect_dma semaphore(%arg15 : memref<!tpu.dma_semaphore, #tpu.memory_space<semaphore_mem>>) src(%dma_wait3A_122 : memref<100000x128xf32, #tpu.memory_space<hbm>>) dst(%arg11 : memref<200x128xf32, #tpu.memory_space<vmem>>)
      %add3A_123 = arith.addi %mul3A_4, %add3A_119 : i32
      %dma_start3A_124 = arith.constant 0 : i32
      %dma_start3A_125 = arith.constant 0 : i32
      %dma_start3A_126 = tpu.memref_slice %arg4[%add3A_123, %dma_start3A_124, %dma_start3A_125] : memref<1024x200x128xf32, #tpu.memory_space<hbm>> -> memref<1x200x128xf32, #tpu.memory_space<hbm>>
      %dma_start3A_127 = tpu.memref_squeeze %dma_start3A_126 : memref<1x200x128xf32, #tpu.memory_space<hbm>> -> memref<200x128xf32, #tpu.memory_space<hbm>>
      %dma_start3A_128 = arith.constant 0 : i32
      %dma_start3A_129 = arith.constant 0 : i32
      %dma_start3A_130 = tpu.memref_slice %arg4[%add3A_123, %dma_start3A_128, %dma_start3A_129] : memref<1024x200x128xf32, #tpu.memory_space<hbm>> -> memref<1x200x128xf32, #tpu.memory_space<hbm>>
      %dma_start3A_131 = tpu.memref_squeeze %dma_start3A_130 : memref<1x200x128xf32, #tpu.memory_space<hbm>> -> memref<200x128xf32, #tpu.memory_space<hbm>>
      tpu.enqueue_dma source(%arg11 : memref<200x128xf32, #tpu.memory_space<vmem>>) target(%dma_start3A_131 : memref<200x128xf32, #tpu.memory_space<hbm>>) target_semaphore(%arg19 : memref<!tpu.dma_semaphore, #tpu.memory_space<semaphore_mem>>)
      %mul3A_132 = arith.constant 4 : i32
      %mul3A_133 = arith.muli %scan3A_83, %mul3A_132 : i32
      %add3A_134 = arith.constant 3 : i32
      %add3A_135 = arith.addi %mul3A_133, %add3A_134 : i32
      %dma_wait3A_136 = arith.constant 0 : i32
      %dma_wait3A_137 = arith.constant 0 : i32
      %dma_wait3A_138 = tpu.memref_slice %arg3[%dma_wait3A_136, %dma_wait3A_137] : memref<100000x128xf32, #tpu.memory_space<hbm>> -> memref<100000x128xf32, #tpu.memory_space<hbm>>
      tpu.wait_indirect_dma semaphore(%arg16 : memref<!tpu.dma_semaphore, #tpu.memory_space<semaphore_mem>>) src(%dma_wait3A_138 : memref<100000x128xf32, #tpu.memory_space<hbm>>) dst(%arg12 : memref<200x128xf32, #tpu.memory_space<vmem>>)
      %add3A_139 = arith.addi %mul3A_4, %add3A_135 : i32
      %dma_start3A_140 = arith.constant 0 : i32
      %dma_start3A_141 = arith.constant 0 : i32
      %dma_start3A_142 = tpu.memref_slice %arg4[%add3A_139, %dma_start3A_140, %dma_start3A_141] : memref<1024x200x128xf32, #tpu.memory_space<hbm>> -> memref<1x200x128xf32, #tpu.memory_space<hbm>>
      %dma_start3A_143 = tpu.memref_squeeze %dma_start3A_142 : memref<1x200x128xf32, #tpu.memory_space<hbm>> -> memref<200x128xf32, #tpu.memory_space<hbm>>
      %dma_start3A_144 = arith.constant 0 : i32
      %dma_start3A_145 = arith.constant 0 : i32
      %dma_start3A_146 = tpu.memref_slice %arg4[%add3A_139, %dma_start3A_144, %dma_start3A_145] : memref<1024x200x128xf32, #tpu.memory_space<hbm>> -> memref<1x200x128xf32, #tpu.memory_space<hbm>>
      %dma_start3A_147 = tpu.memref_squeeze %dma_start3A_146 : memref<1x200x128xf32, #tpu.memory_space<hbm>> -> memref<200x128xf32, #tpu.memory_space<hbm>>
      tpu.enqueue_dma source(%arg12 : memref<200x128xf32, #tpu.memory_space<vmem>>) target(%dma_start3A_147 : memref<200x128xf32, #tpu.memory_space<hbm>>) target_semaphore(%arg20 : memref<!tpu.dma_semaphore, #tpu.memory_space<semaphore_mem>>)
      %mul3A_148 = arith.constant 4 : i32
      %mul3A_149 = arith.muli %scan3A_83, %mul3A_148 : i32
      %add3A_150 = arith.constant 0 : i32
      %add3A_151 = arith.addi %mul3A_149, %add3A_150 : i32
      %lt3A = arith.constant 7 : i32
      %lt3A_152 = arith.cmpi slt, %scan3A_83, %lt3A : i32
      %convert_element_type3A = arith.extui %lt3A_152 : i1 to i32
      %cond3A = arith.constant 0 : i32
      %cond3A_153 = arith.cmpi ne, %convert_element_type3A, %cond3A : i32
      scf.if %cond3A_153 {
        %add3A_181 = arith.addi %mul3A_4, %add3A_151 : i32
        %dma_wait3A_182 = arith.constant 0 : i32
        %dma_wait3A_183 = arith.constant 0 : i32
        %dma_wait3A_184 = tpu.memref_slice %arg4[%add3A_181, %dma_wait3A_182, %dma_wait3A_183] : memref<1024x200x128xf32, #tpu.memory_space<hbm>> -> memref<1x200x128xf32, #tpu.memory_space<hbm>>
        %dma_wait3A_185 = tpu.memref_squeeze %dma_wait3A_184 : memref<1x200x128xf32, #tpu.memory_space<hbm>> -> memref<200x128xf32, #tpu.memory_space<hbm>>
        %dma_wait3A_186 = arith.constant 0 : i32
        %dma_wait3A_187 = arith.constant 0 : i32
        %dma_wait3A_188 = tpu.memref_slice %arg4[%add3A_181, %dma_wait3A_186, %dma_wait3A_187] : memref<1024x200x128xf32, #tpu.memory_space<hbm>> -> memref<1x200x128xf32, #tpu.memory_space<hbm>>
        %dma_wait3A_189 = tpu.memref_squeeze %dma_wait3A_188 : memref<1x200x128xf32, #tpu.memory_space<hbm>> -> memref<200x128xf32, #tpu.memory_space<hbm>>
        tpu.wait_dma2 semaphore(%arg17 : memref<!tpu.dma_semaphore, #tpu.memory_space<semaphore_mem>>) src(%arg9 : memref<200x128xf32, #tpu.memory_space<vmem>>) dst(%dma_wait3A_189 : memref<200x128xf32, #tpu.memory_space<hbm>>)
        %add3A_190 = arith.constant 4 : i32
        %add3A_191 = arith.addi %add3A_151, %add3A_190 : i32
        %add3A_192 = arith.addi %mul3A_4, %add3A_191 : i32
        "tpu.region"() ({
          %run_scoped3A = tpu.sem_alloc : memref<!tpu.dma_semaphore, #tpu.memory_space<semaphore_mem>>
          %dma_start3A_196 = arith.constant 0 : i32
          %dma_start3A_197 = tpu.memref_slice %arg2[%add3A_192, %dma_start3A_196] : memref<1024x200xi32, #tpu.memory_space<hbm>> -> memref<1x200xi32, #tpu.memory_space<hbm>>
          %dma_start3A_198 = tpu.memref_squeeze %dma_start3A_197 : memref<1x200xi32, #tpu.memory_space<hbm>> -> memref<200xi32, #tpu.memory_space<hbm>>
          %dma_start3A_199 = arith.constant 0 : i32
          %dma_start3A_200 = tpu.memref_slice %arg2[%add3A_192, %dma_start3A_199] : memref<1024x200xi32, #tpu.memory_space<hbm>> -> memref<1x200xi32, #tpu.memory_space<hbm>>
          %dma_start3A_201 = tpu.memref_squeeze %dma_start3A_200 : memref<1x200xi32, #tpu.memory_space<hbm>> -> memref<200xi32, #tpu.memory_space<hbm>>
          tpu.enqueue_dma source(%dma_start3A_201 : memref<200xi32, #tpu.memory_space<hbm>>) target(%arg5 : memref<200xi32, #tpu.memory_space<vmem>>) target_semaphore(%run_scoped3A : memref<!tpu.dma_semaphore, #tpu.memory_space<semaphore_mem>>)
          %dma_wait3A_202 = arith.constant 0 : i32
          %dma_wait3A_203 = tpu.memref_slice %arg2[%add3A_192, %dma_wait3A_202] : memref<1024x200xi32, #tpu.memory_space<hbm>> -> memref<1x200xi32, #tpu.memory_space<hbm>>
          %dma_wait3A_204 = tpu.memref_squeeze %dma_wait3A_203 : memref<1x200xi32, #tpu.memory_space<hbm>> -> memref<200xi32, #tpu.memory_space<hbm>>
          %dma_wait3A_205 = arith.constant 0 : i32
          %dma_wait3A_206 = tpu.memref_slice %arg2[%add3A_192, %dma_wait3A_205] : memref<1024x200xi32, #tpu.memory_space<hbm>> -> memref<1x200xi32, #tpu.memory_space<hbm>>
          %dma_wait3A_207 = tpu.memref_squeeze %dma_wait3A_206 : memref<1x200xi32, #tpu.memory_space<hbm>> -> memref<200xi32, #tpu.memory_space<hbm>>
          tpu.wait_dma2 semaphore(%run_scoped3A : memref<!tpu.dma_semaphore, #tpu.memory_space<semaphore_mem>>) src(%dma_wait3A_207 : memref<200xi32, #tpu.memory_space<hbm>>) dst(%arg5 : memref<200xi32, #tpu.memory_space<vmem>>)
          tpu.yield
        }) : () -> ()
        %dma_start3A_193 = arith.constant 0 : i32
        %dma_start3A_194 = arith.constant 0 : i32
        %dma_start3A_195 = tpu.memref_slice %arg3[%dma_start3A_193, %dma_start3A_194] : memref<100000x128xf32, #tpu.memory_space<hbm>> -> memref<100000x128xf32, #tpu.memory_space<hbm>>
        tpu.enqueue_indirect_dma source(%dma_start3A_195 : memref<100000x128xf32, #tpu.memory_space<hbm>>) target(%arg9 : memref<200x128xf32, #tpu.memory_space<vmem>>) offsets(%arg5 : memref<200xi32, #tpu.memory_space<vmem>>) semaphore(%arg13 : memref<!tpu.dma_semaphore, #tpu.memory_space<semaphore_mem>>)
      } else {
      }
      %mul3A_154 = arith.constant 4 : i32
      %mul3A_155 = arith.muli %scan3A_83, %mul3A_154 : i32
      %add3A_156 = arith.constant 1 : i32
      %add3A_157 = arith.addi %mul3A_155, %add3A_156 : i32
      %lt3A_158 = arith.constant 7 : i32
      %lt3A_159 = arith.cmpi slt, %scan3A_83, %lt3A_158 : i32
      %convert_element_type3A_160 = arith.extui %lt3A_159 : i1 to i32
      %cond3A_161 = arith.constant 0 : i32
      %cond3A_162 = arith.cmpi ne, %convert_element_type3A_160, %cond3A_161 : i32
      scf.if %cond3A_162 {
        %add3A_181 = arith.addi %mul3A_4, %add3A_157 : i32
        %dma_wait3A_182 = arith.constant 0 : i32
        %dma_wait3A_183 = arith.constant 0 : i32
        %dma_wait3A_184 = tpu.memref_slice %arg4[%add3A_181, %dma_wait3A_182, %dma_wait3A_183] : memref<1024x200x128xf32, #tpu.memory_space<hbm>> -> memref<1x200x128xf32, #tpu.memory_space<hbm>>
        %dma_wait3A_185 = tpu.memref_squeeze %dma_wait3A_184 : memref<1x200x128xf32, #tpu.memory_space<hbm>> -> memref<200x128xf32, #tpu.memory_space<hbm>>
        %dma_wait3A_186 = arith.constant 0 : i32
        %dma_wait3A_187 = arith.constant 0 : i32
        %dma_wait3A_188 = tpu.memref_slice %arg4[%add3A_181, %dma_wait3A_186, %dma_wait3A_187] : memref<1024x200x128xf32, #tpu.memory_space<hbm>> -> memref<1x200x128xf32, #tpu.memory_space<hbm>>
        %dma_wait3A_189 = tpu.memref_squeeze %dma_wait3A_188 : memref<1x200x128xf32, #tpu.memory_space<hbm>> -> memref<200x128xf32, #tpu.memory_space<hbm>>
        tpu.wait_dma2 semaphore(%arg18 : memref<!tpu.dma_semaphore, #tpu.memory_space<semaphore_mem>>) src(%arg10 : memref<200x128xf32, #tpu.memory_space<vmem>>) dst(%dma_wait3A_189 : memref<200x128xf32, #tpu.memory_space<hbm>>)
        %add3A_190 = arith.constant 4 : i32
        %add3A_191 = arith.addi %add3A_157, %add3A_190 : i32
        %add3A_192 = arith.addi %mul3A_4, %add3A_191 : i32
        "tpu.region"() ({
          %run_scoped3A = tpu.sem_alloc : memref<!tpu.dma_semaphore, #tpu.memory_space<semaphore_mem>>
          %dma_start3A_196 = arith.constant 0 : i32
          %dma_start3A_197 = tpu.memref_slice %arg2[%add3A_192, %dma_start3A_196] : memref<1024x200xi32, #tpu.memory_space<hbm>> -> memref<1x200xi32, #tpu.memory_space<hbm>>
          %dma_start3A_198 = tpu.memref_squeeze %dma_start3A_197 : memref<1x200xi32, #tpu.memory_space<hbm>> -> memref<200xi32, #tpu.memory_space<hbm>>
          %dma_start3A_199 = arith.constant 0 : i32
          %dma_start3A_200 = tpu.memref_slice %arg2[%add3A_192, %dma_start3A_199] : memref<1024x200xi32, #tpu.memory_space<hbm>> -> memref<1x200xi32, #tpu.memory_space<hbm>>
          %dma_start3A_201 = tpu.memref_squeeze %dma_start3A_200 : memref<1x200xi32, #tpu.memory_space<hbm>> -> memref<200xi32, #tpu.memory_space<hbm>>
          tpu.enqueue_dma source(%dma_start3A_201 : memref<200xi32, #tpu.memory_space<hbm>>) target(%arg6 : memref<200xi32, #tpu.memory_space<vmem>>) target_semaphore(%run_scoped3A : memref<!tpu.dma_semaphore, #tpu.memory_space<semaphore_mem>>)
          %dma_wait3A_202 = arith.constant 0 : i32
          %dma_wait3A_203 = tpu.memref_slice %arg2[%add3A_192, %dma_wait3A_202] : memref<1024x200xi32, #tpu.memory_space<hbm>> -> memref<1x200xi32, #tpu.memory_space<hbm>>
          %dma_wait3A_204 = tpu.memref_squeeze %dma_wait3A_203 : memref<1x200xi32, #tpu.memory_space<hbm>> -> memref<200xi32, #tpu.memory_space<hbm>>
          %dma_wait3A_205 = arith.constant 0 : i32
          %dma_wait3A_206 = tpu.memref_slice %arg2[%add3A_192, %dma_wait3A_205] : memref<1024x200xi32, #tpu.memory_space<hbm>> -> memref<1x200xi32, #tpu.memory_space<hbm>>
          %dma_wait3A_207 = tpu.memref_squeeze %dma_wait3A_206 : memref<1x200xi32, #tpu.memory_space<hbm>> -> memref<200xi32, #tpu.memory_space<hbm>>
          tpu.wait_dma2 semaphore(%run_scoped3A : memref<!tpu.dma_semaphore, #tpu.memory_space<semaphore_mem>>) src(%dma_wait3A_207 : memref<200xi32, #tpu.memory_space<hbm>>) dst(%arg6 : memref<200xi32, #tpu.memory_space<vmem>>)
          tpu.yield
        }) : () -> ()
        %dma_start3A_193 = arith.constant 0 : i32
        %dma_start3A_194 = arith.constant 0 : i32
        %dma_start3A_195 = tpu.memref_slice %arg3[%dma_start3A_193, %dma_start3A_194] : memref<100000x128xf32, #tpu.memory_space<hbm>> -> memref<100000x128xf32, #tpu.memory_space<hbm>>
        tpu.enqueue_indirect_dma source(%dma_start3A_195 : memref<100000x128xf32, #tpu.memory_space<hbm>>) target(%arg10 : memref<200x128xf32, #tpu.memory_space<vmem>>) offsets(%arg6 : memref<200xi32, #tpu.memory_space<vmem>>) semaphore(%arg14 : memref<!tpu.dma_semaphore, #tpu.memory_space<semaphore_mem>>)
      } else {
      }
      %mul3A_163 = arith.constant 4 : i32
      %mul3A_164 = arith.muli %scan3A_83, %mul3A_163 : i32
      %add3A_165 = arith.constant 2 : i32
      %add3A_166 = arith.addi %mul3A_164, %add3A_165 : i32
      %lt3A_167 = arith.constant 7 : i32
      %lt3A_168 = arith.cmpi slt, %scan3A_83, %lt3A_167 : i32
      %convert_element_type3A_169 = arith.extui %lt3A_168 : i1 to i32
      %cond3A_170 = arith.constant 0 : i32
      %cond3A_171 = arith.cmpi ne, %convert_element_type3A_169, %cond3A_170 : i32
      scf.if %cond3A_171 {
        %add3A_181 = arith.addi %mul3A_4, %add3A_166 : i32
        %dma_wait3A_182 = arith.constant 0 : i32
        %dma_wait3A_183 = arith.constant 0 : i32
        %dma_wait3A_184 = tpu.memref_slice %arg4[%add3A_181, %dma_wait3A_182, %dma_wait3A_183] : memref<1024x200x128xf32, #tpu.memory_space<hbm>> -> memref<1x200x128xf32, #tpu.memory_space<hbm>>
        %dma_wait3A_185 = tpu.memref_squeeze %dma_wait3A_184 : memref<1x200x128xf32, #tpu.memory_space<hbm>> -> memref<200x128xf32, #tpu.memory_space<hbm>>
        %dma_wait3A_186 = arith.constant 0 : i32
        %dma_wait3A_187 = arith.constant 0 : i32
        %dma_wait3A_188 = tpu.memref_slice %arg4[%add3A_181, %dma_wait3A_186, %dma_wait3A_187] : memref<1024x200x128xf32, #tpu.memory_space<hbm>> -> memref<1x200x128xf32, #tpu.memory_space<hbm>>
        %dma_wait3A_189 = tpu.memref_squeeze %dma_wait3A_188 : memref<1x200x128xf32, #tpu.memory_space<hbm>> -> memref<200x128xf32, #tpu.memory_space<hbm>>
        tpu.wait_dma2 semaphore(%arg19 : memref<!tpu.dma_semaphore, #tpu.memory_space<semaphore_mem>>) src(%arg11 : memref<200x128xf32, #tpu.memory_space<vmem>>) dst(%dma_wait3A_189 : memref<200x128xf32, #tpu.memory_space<hbm>>)
        %add3A_190 = arith.constant 4 : i32
        %add3A_191 = arith.addi %add3A_166, %add3A_190 : i32
        %add3A_192 = arith.addi %mul3A_4, %add3A_191 : i32
        "tpu.region"() ({
          %run_scoped3A = tpu.sem_alloc : memref<!tpu.dma_semaphore, #tpu.memory_space<semaphore_mem>>
          %dma_start3A_196 = arith.constant 0 : i32
          %dma_start3A_197 = tpu.memref_slice %arg2[%add3A_192, %dma_start3A_196] : memref<1024x200xi32, #tpu.memory_space<hbm>> -> memref<1x200xi32, #tpu.memory_space<hbm>>
          %dma_start3A_198 = tpu.memref_squeeze %dma_start3A_197 : memref<1x200xi32, #tpu.memory_space<hbm>> -> memref<200xi32, #tpu.memory_space<hbm>>
          %dma_start3A_199 = arith.constant 0 : i32
          %dma_start3A_200 = tpu.memref_slice %arg2[%add3A_192, %dma_start3A_199] : memref<1024x200xi32, #tpu.memory_space<hbm>> -> memref<1x200xi32, #tpu.memory_space<hbm>>
          %dma_start3A_201 = tpu.memref_squeeze %dma_start3A_200 : memref<1x200xi32, #tpu.memory_space<hbm>> -> memref<200xi32, #tpu.memory_space<hbm>>
          tpu.enqueue_dma source(%dma_start3A_201 : memref<200xi32, #tpu.memory_space<hbm>>) target(%arg7 : memref<200xi32, #tpu.memory_space<vmem>>) target_semaphore(%run_scoped3A : memref<!tpu.dma_semaphore, #tpu.memory_space<semaphore_mem>>)
          %dma_wait3A_202 = arith.constant 0 : i32
          %dma_wait3A_203 = tpu.memref_slice %arg2[%add3A_192, %dma_wait3A_202] : memref<1024x200xi32, #tpu.memory_space<hbm>> -> memref<1x200xi32, #tpu.memory_space<hbm>>
          %dma_wait3A_204 = tpu.memref_squeeze %dma_wait3A_203 : memref<1x200xi32, #tpu.memory_space<hbm>> -> memref<200xi32, #tpu.memory_space<hbm>>
          %dma_wait3A_205 = arith.constant 0 : i32
          %dma_wait3A_206 = tpu.memref_slice %arg2[%add3A_192, %dma_wait3A_205] : memref<1024x200xi32, #tpu.memory_space<hbm>> -> memref<1x200xi32, #tpu.memory_space<hbm>>
          %dma_wait3A_207 = tpu.memref_squeeze %dma_wait3A_206 : memref<1x200xi32, #tpu.memory_space<hbm>> -> memref<200xi32, #tpu.memory_space<hbm>>
          tpu.wait_dma2 semaphore(%run_scoped3A : memref<!tpu.dma_semaphore, #tpu.memory_space<semaphore_mem>>) src(%dma_wait3A_207 : memref<200xi32, #tpu.memory_space<hbm>>) dst(%arg7 : memref<200xi32, #tpu.memory_space<vmem>>)
          tpu.yield
        }) : () -> ()
        %dma_start3A_193 = arith.constant 0 : i32
        %dma_start3A_194 = arith.constant 0 : i32
        %dma_start3A_195 = tpu.memref_slice %arg3[%dma_start3A_193, %dma_start3A_194] : memref<100000x128xf32, #tpu.memory_space<hbm>> -> memref<100000x128xf32, #tpu.memory_space<hbm>>
        tpu.enqueue_indirect_dma source(%dma_start3A_195 : memref<100000x128xf32, #tpu.memory_space<hbm>>) target(%arg11 : memref<200x128xf32, #tpu.memory_space<vmem>>) offsets(%arg7 : memref<200xi32, #tpu.memory_space<vmem>>) semaphore(%arg15 : memref<!tpu.dma_semaphore, #tpu.memory_space<semaphore_mem>>)
      } else {
      }
      %mul3A_172 = arith.constant 4 : i32
      %mul3A_173 = arith.muli %scan3A_83, %mul3A_172 : i32
      %add3A_174 = arith.constant 3 : i32
      %add3A_175 = arith.addi %mul3A_173, %add3A_174 : i32
      %lt3A_176 = arith.constant 7 : i32
      %lt3A_177 = arith.cmpi slt, %scan3A_83, %lt3A_176 : i32
      %convert_element_type3A_178 = arith.extui %lt3A_177 : i1 to i32
      %cond3A_179 = arith.constant 0 : i32
      %cond3A_180 = arith.cmpi ne, %convert_element_type3A_178, %cond3A_179 : i32
      scf.if %cond3A_180 {
        %add3A_181 = arith.addi %mul3A_4, %add3A_175 : i32
        %dma_wait3A_182 = arith.constant 0 : i32
        %dma_wait3A_183 = arith.constant 0 : i32
        %dma_wait3A_184 = tpu.memref_slice %arg4[%add3A_181, %dma_wait3A_182, %dma_wait3A_183] : memref<1024x200x128xf32, #tpu.memory_space<hbm>> -> memref<1x200x128xf32, #tpu.memory_space<hbm>>
        %dma_wait3A_185 = tpu.memref_squeeze %dma_wait3A_184 : memref<1x200x128xf32, #tpu.memory_space<hbm>> -> memref<200x128xf32, #tpu.memory_space<hbm>>
        %dma_wait3A_186 = arith.constant 0 : i32
        %dma_wait3A_187 = arith.constant 0 : i32
        %dma_wait3A_188 = tpu.memref_slice %arg4[%add3A_181, %dma_wait3A_186, %dma_wait3A_187] : memref<1024x200x128xf32, #tpu.memory_space<hbm>> -> memref<1x200x128xf32, #tpu.memory_space<hbm>>
        %dma_wait3A_189 = tpu.memref_squeeze %dma_wait3A_188 : memref<1x200x128xf32, #tpu.memory_space<hbm>> -> memref<200x128xf32, #tpu.memory_space<hbm>>
        tpu.wait_dma2 semaphore(%arg20 : memref<!tpu.dma_semaphore, #tpu.memory_space<semaphore_mem>>) src(%arg12 : memref<200x128xf32, #tpu.memory_space<vmem>>) dst(%dma_wait3A_189 : memref<200x128xf32, #tpu.memory_space<hbm>>)
        %add3A_190 = arith.constant 4 : i32
        %add3A_191 = arith.addi %add3A_175, %add3A_190 : i32
        %add3A_192 = arith.addi %mul3A_4, %add3A_191 : i32
        "tpu.region"() ({
          %run_scoped3A = tpu.sem_alloc : memref<!tpu.dma_semaphore, #tpu.memory_space<semaphore_mem>>
          %dma_start3A_196 = arith.constant 0 : i32
          %dma_start3A_197 = tpu.memref_slice %arg2[%add3A_192, %dma_start3A_196] : memref<1024x200xi32, #tpu.memory_space<hbm>> -> memref<1x200xi32, #tpu.memory_space<hbm>>
          %dma_start3A_198 = tpu.memref_squeeze %dma_start3A_197 : memref<1x200xi32, #tpu.memory_space<hbm>> -> memref<200xi32, #tpu.memory_space<hbm>>
          %dma_start3A_199 = arith.constant 0 : i32
          %dma_start3A_200 = tpu.memref_slice %arg2[%add3A_192, %dma_start3A_199] : memref<1024x200xi32, #tpu.memory_space<hbm>> -> memref<1x200xi32, #tpu.memory_space<hbm>>
          %dma_start3A_201 = tpu.memref_squeeze %dma_start3A_200 : memref<1x200xi32, #tpu.memory_space<hbm>> -> memref<200xi32, #tpu.memory_space<hbm>>
          tpu.enqueue_dma source(%dma_start3A_201 : memref<200xi32, #tpu.memory_space<hbm>>) target(%arg8 : memref<200xi32, #tpu.memory_space<vmem>>) target_semaphore(%run_scoped3A : memref<!tpu.dma_semaphore, #tpu.memory_space<semaphore_mem>>)
          %dma_wait3A_202 = arith.constant 0 : i32
          %dma_wait3A_203 = tpu.memref_slice %arg2[%add3A_192, %dma_wait3A_202] : memref<1024x200xi32, #tpu.memory_space<hbm>> -> memref<1x200xi32, #tpu.memory_space<hbm>>
          %dma_wait3A_204 = tpu.memref_squeeze %dma_wait3A_203 : memref<1x200xi32, #tpu.memory_space<hbm>> -> memref<200xi32, #tpu.memory_space<hbm>>
          %dma_wait3A_205 = arith.constant 0 : i32
          %dma_wait3A_206 = tpu.memref_slice %arg2[%add3A_192, %dma_wait3A_205] : memref<1024x200xi32, #tpu.memory_space<hbm>> -> memref<1x200xi32, #tpu.memory_space<hbm>>
          %dma_wait3A_207 = tpu.memref_squeeze %dma_wait3A_206 : memref<1x200xi32, #tpu.memory_space<hbm>> -> memref<200xi32, #tpu.memory_space<hbm>>
          tpu.wait_dma2 semaphore(%run_scoped3A : memref<!tpu.dma_semaphore, #tpu.memory_space<semaphore_mem>>) src(%dma_wait3A_207 : memref<200xi32, #tpu.memory_space<hbm>>) dst(%arg8 : memref<200xi32, #tpu.memory_space<vmem>>)
          tpu.yield
        }) : () -> ()
        %dma_start3A_193 = arith.constant 0 : i32
        %dma_start3A_194 = arith.constant 0 : i32
        %dma_start3A_195 = tpu.memref_slice %arg3[%dma_start3A_193, %dma_start3A_194] : memref<100000x128xf32, #tpu.memory_space<hbm>> -> memref<100000x128xf32, #tpu.memory_space<hbm>>
        tpu.enqueue_indirect_dma source(%dma_start3A_195 : memref<100000x128xf32, #tpu.memory_space<hbm>>) target(%arg12 : memref<200x128xf32, #tpu.memory_space<vmem>>) offsets(%arg8 : memref<200xi32, #tpu.memory_space<vmem>>) semaphore(%arg16 : memref<!tpu.dma_semaphore, #tpu.memory_space<semaphore_mem>>)
      } else {
      }
    }
    %scan3A_28 = arith.constant 8 : i32
    %add3A_29 = arith.constant 32 : i32
    %add3A_30 = arith.addi %mul3A_4, %add3A_29 : i32
    %sub3A = arith.constant 4 : i32
    %sub3A_31 = arith.subi %add3A_30, %sub3A : i32
    %add3A_32 = arith.constant 0 : i32
    %add3A_33 = arith.addi %sub3A_31, %add3A_32 : i32
    %dma_wait3A = arith.constant 0 : i32
    %dma_wait3A_34 = arith.constant 0 : i32
    %dma_wait3A_35 = tpu.memref_slice %arg4[%add3A_33, %dma_wait3A, %dma_wait3A_34] : memref<1024x200x128xf32, #tpu.memory_space<hbm>> -> memref<1x200x128xf32, #tpu.memory_space<hbm>>
    %dma_wait3A_36 = tpu.memref_squeeze %dma_wait3A_35 : memref<1x200x128xf32, #tpu.memory_space<hbm>> -> memref<200x128xf32, #tpu.memory_space<hbm>>
    %dma_wait3A_37 = arith.constant 0 : i32
    %dma_wait3A_38 = arith.constant 0 : i32
    %dma_wait3A_39 = tpu.memref_slice %arg4[%add3A_33, %dma_wait3A_37, %dma_wait3A_38] : memref<1024x200x128xf32, #tpu.memory_space<hbm>> -> memref<1x200x128xf32, #tpu.memory_space<hbm>>
    %dma_wait3A_40 = tpu.memref_squeeze %dma_wait3A_39 : memref<1x200x128xf32, #tpu.memory_space<hbm>> -> memref<200x128xf32, #tpu.memory_space<hbm>>
    tpu.wait_dma2 semaphore(%arg17 : memref<!tpu.dma_semaphore, #tpu.memory_space<semaphore_mem>>) src(%arg9 : memref<200x128xf32, #tpu.memory_space<vmem>>) dst(%dma_wait3A_40 : memref<200x128xf32, #tpu.memory_space<hbm>>)
    %add3A_41 = arith.constant 32 : i32
    %add3A_42 = arith.addi %mul3A_4, %add3A_41 : i32
    %sub3A_43 = arith.constant 4 : i32
    %sub3A_44 = arith.subi %add3A_42, %sub3A_43 : i32
    %add3A_45 = arith.constant 1 : i32
    %add3A_46 = arith.addi %sub3A_44, %add3A_45 : i32
    %dma_wait3A_47 = arith.constant 0 : i32
    %dma_wait3A_48 = arith.constant 0 : i32
    %dma_wait3A_49 = tpu.memref_slice %arg4[%add3A_46, %dma_wait3A_47, %dma_wait3A_48] : memref<1024x200x128xf32, #tpu.memory_space<hbm>> -> memref<1x200x128xf32, #tpu.memory_space<hbm>>
    %dma_wait3A_50 = tpu.memref_squeeze %dma_wait3A_49 : memref<1x200x128xf32, #tpu.memory_space<hbm>> -> memref<200x128xf32, #tpu.memory_space<hbm>>
    %dma_wait3A_51 = arith.constant 0 : i32
    %dma_wait3A_52 = arith.constant 0 : i32
    %dma_wait3A_53 = tpu.memref_slice %arg4[%add3A_46, %dma_wait3A_51, %dma_wait3A_52] : memref<1024x200x128xf32, #tpu.memory_space<hbm>> -> memref<1x200x128xf32, #tpu.memory_space<hbm>>
    %dma_wait3A_54 = tpu.memref_squeeze %dma_wait3A_53 : memref<1x200x128xf32, #tpu.memory_space<hbm>> -> memref<200x128xf32, #tpu.memory_space<hbm>>
    tpu.wait_dma2 semaphore(%arg18 : memref<!tpu.dma_semaphore, #tpu.memory_space<semaphore_mem>>) src(%arg10 : memref<200x128xf32, #tpu.memory_space<vmem>>) dst(%dma_wait3A_54 : memref<200x128xf32, #tpu.memory_space<hbm>>)
    %add3A_55 = arith.constant 32 : i32
    %add3A_56 = arith.addi %mul3A_4, %add3A_55 : i32
    %sub3A_57 = arith.constant 4 : i32
    %sub3A_58 = arith.subi %add3A_56, %sub3A_57 : i32
    %add3A_59 = arith.constant 2 : i32
    %add3A_60 = arith.addi %sub3A_58, %add3A_59 : i32
    %dma_wait3A_61 = arith.constant 0 : i32
    %dma_wait3A_62 = arith.constant 0 : i32
    %dma_wait3A_63 = tpu.memref_slice %arg4[%add3A_60, %dma_wait3A_61, %dma_wait3A_62] : memref<1024x200x128xf32, #tpu.memory_space<hbm>> -> memref<1x200x128xf32, #tpu.memory_space<hbm>>
    %dma_wait3A_64 = tpu.memref_squeeze %dma_wait3A_63 : memref<1x200x128xf32, #tpu.memory_space<hbm>> -> memref<200x128xf32, #tpu.memory_space<hbm>>
    %dma_wait3A_65 = arith.constant 0 : i32
    %dma_wait3A_66 = arith.constant 0 : i32
    %dma_wait3A_67 = tpu.memref_slice %arg4[%add3A_60, %dma_wait3A_65, %dma_wait3A_66] : memref<1024x200x128xf32, #tpu.memory_space<hbm>> -> memref<1x200x128xf32, #tpu.memory_space<hbm>>
    %dma_wait3A_68 = tpu.memref_squeeze %dma_wait3A_67 : memref<1x200x128xf32, #tpu.memory_space<hbm>> -> memref<200x128xf32, #tpu.memory_space<hbm>>
    tpu.wait_dma2 semaphore(%arg19 : memref<!tpu.dma_semaphore, #tpu.memory_space<semaphore_mem>>) src(%arg11 : memref<200x128xf32, #tpu.memory_space<vmem>>) dst(%dma_wait3A_68 : memref<200x128xf32, #tpu.memory_space<hbm>>)
    %add3A_69 = arith.constant 32 : i32
    %add3A_70 = arith.addi %mul3A_4, %add3A_69 : i32
    %sub3A_71 = arith.constant 4 : i32
    %sub3A_72 = arith.subi %add3A_70, %sub3A_71 : i32
    %add3A_73 = arith.constant 3 : i32
    %add3A_74 = arith.addi %sub3A_72, %add3A_73 : i32
    %dma_wait3A_75 = arith.constant 0 : i32
    %dma_wait3A_76 = arith.constant 0 : i32
    %dma_wait3A_77 = tpu.memref_slice %arg4[%add3A_74, %dma_wait3A_75, %dma_wait3A_76] : memref<1024x200x128xf32, #tpu.memory_space<hbm>> -> memref<1x200x128xf32, #tpu.memory_space<hbm>>
    %dma_wait3A_78 = tpu.memref_squeeze %dma_wait3A_77 : memref<1x200x128xf32, #tpu.memory_space<hbm>> -> memref<200x128xf32, #tpu.memory_space<hbm>>
    %dma_wait3A_79 = arith.constant 0 : i32
    %dma_wait3A_80 = arith.constant 0 : i32
    %dma_wait3A_81 = tpu.memref_slice %arg4[%add3A_74, %dma_wait3A_79, %dma_wait3A_80] : memref<1024x200x128xf32, #tpu.memory_space<hbm>> -> memref<1x200x128xf32, #tpu.memory_space<hbm>>
    %dma_wait3A_82 = tpu.memref_squeeze %dma_wait3A_81 : memref<1x200x128xf32, #tpu.memory_space<hbm>> -> memref<200x128xf32, #tpu.memory_space<hbm>>
    tpu.wait_dma2 semaphore(%arg20 : memref<!tpu.dma_semaphore, #tpu.memory_space<semaphore_mem>>) src(%arg12 : memref<200x128xf32, #tpu.memory_space<vmem>>) dst(%dma_wait3A_82 : memref<200x128xf32, #tpu.memory_space<hbm>>)
    return
  }
}

</mosaic_0001>

<sc_bundles>
// kernel: kernel.3.cloned.1.call-start
scs
__scs_entry_jumppad:
0x0: {  	(pc) =	sbr.rel $0x88, $3  }
0x1: {  	(tag) =	ssettag $0x0;
	lr =	simm.s32 $0x1  }
0x2: {  	[smem:$0x3F9F] =	sst lr;
	_ =	strace $0xD0000000  }
0x3: {  	_ = 	snop  }
0x4: {  	_ = 	snop  }
0x5: {  	_ = 	snop  }
0x6: {  	_ = 	snop  }
0x7: {  	_ = 	snop  }
__scs_overlays_trampoline_lowered:
0x8: {  	[smem:$0x3FAE] =	sst s0  }
0x9: {  	[smem:$0x3FAF] =	sst s1  }
0xa: {  	[smem:$0x3FB0] =	sst s2  }
0xb: {  	[smem:$0x3FB1] =	sst s3  }
0xc: {  	[smem:$0x3FB2] =	sst s4  }
0xd: {  	[smem:$0x3FB3] =	sst s5  }
0xe: {  	[smem:$0x3FB4] =	sst s6  }
0xf: {  	[smem:$0x3FB5] =	sst s7  }
0x10: {  	[smem:$0x3FB6] =	sst s8  }
0x11: {  	[smem:$0x3FB7] =	sst s9;
	s0 =	simm.s32 @!p0 $0x0  }
0x12: {  	s1 =	sld [smem:$0x3F9D];
	s0 =	simm.s32 @p0 $0x1  }
0x13: {  	[smem:$0x3FB8] =	sst s0;
	s0 =	simm.s32 @!p1 $0x0  }
0x14: {  	s2 =	sld [smem:$0x3F9C];
	s0 =	simm.s32 @p1 $0x1  }
0x15: {  	[smem:$0x3FB9] =	sst s0;
	s0 =	simm.s32 @!p2 $0x0  }
0x16: {  	s3 =	sld [smem:$0x3FDB];
	s0 =	simm.s32 @p2 $0x1  }
0x17: {  	s4 =	simm.s32 $0x1BF5;
	[smem:$0x3FBB] =	sst s0  }
0x18: {  	s0 =	sld [smem:$0x3F9E];
	_ =	swait.ge [sflag:s4], $0x0  }
0x19: {  	s7 =	sld [smem:$0x3F9F]  }
0x1a: {  	s8 =	sadd.s32 $0xFFFFE003, lr  }
0x1b: {  	s9 =	sadd.s32 $0xFFFFFEF7, lr;
	s5 =	simm.s32 $0xFFFFFFFF;
	p2 =	slt.u32 s8, $0xFFFFF086  }
0x1c: {  	p1 =	slt.u32 s9, $0xF7A;
	s5 =	simm.s32 @!p2 $0x0  }
0x1d: {  	s5 =	simm.s32 @p1 $0x1;
	p0 =	seq.s32 s7, s2  }
0x1e: {  	s7 =	smul.u32 @!p0 $0xF7A, s2;
	p2 =	seq.s32 @!p0 s5, $0x0  }
0x1f: {  	s9 =	smul.u32 $0xF7A, s1;
	s8 =	simm.s32 @!p0 $0x1BF5;
	p2 =	por !p2, p0  }
0x20: {  	[sflag:s8] =	ssyncset.s32 @!p0 $0xFFFFF086;
	s6 =	sadd.s32 @!p0 s3, s7;
	s7 =	simm.s32 @!p0 $0x108  }
0x21: {  	s3 =	sadd.s32 s3, s9;
	s6 =	sadd.s32 @!p0 $0x88, s6;
	s7 =	simm.s32 @p2 $0x1082  }
0x22: {  	[simem:s7], [sflag:s8] =	dma.local @!p0 [hbm:s6], $0xF7A  }
0x23: {  	s9 =	sor.u32 $0xD0000000, s2;
	s6 =	simm.s32 $0x108;
	_ =	swait.ge @!p0 [sflag:s8], $0x0  }
0x24: {  	s3 =	sadd.s32 $0x88, s3;
	s6 =	simm.s32 @!p1 $0x1082;
	[sflag:s4] =	ssyncset.s32 $0xFFFFF086  }
0x25: {  	[simem:s6], [sflag:s4] =	dma.local [hbm:s3], $0xF7A  }
0x26: {  	[smem:$0x3F9F] =	sst s1;
	(tag) =	ssettag s2;
	_ =	strace s9  }
0x27: {  	s1 =	sld [smem:$0x3FAF]  }
0x28: {  	s2 =	sld [smem:$0x3FB0]  }
0x29: {  	s4 =	sld [smem:$0x3FB2]  }
0x2a: {  	p0 =	seq.s32 s5, $0x0;
	s5 =	sld [smem:$0x3FB3]  }
0x2b: {  	s6 =	sld [smem:$0x3FB4]  }
0x2c: {  	s7 =	sld [smem:$0x3FB5]  }
0x2d: {  	s3 =	simm.s32 $0x108;
	s8 =	sld [smem:$0x3FB6]  }
0x2e: {  	s3 =	simm.s32 @!p0 $0x1082;
	s9 =	sld [smem:$0x3FB7]  }
0x2f: {  	lr =	sadd.s32 s0, s3;
	s0 =	sld [smem:$0x3FAE]  }
0x30: {  	s3 =	sld [smem:$0x3FB1]  }
0x31: {  	[smem:$0x3FBA] =	sst s10  }
0x32: {  	s10 =	sld [smem:$0x3FB8];
	_ =	sdelay $0x3  }
0x33: {  	p0 =	seq.s32 s10, $0x1;
	s10 =	sld [smem:$0x3FBA];
	_ =	sdelay $0x3  }
0x34: {  	[smem:$0x3FBA] =	sst s10  }
0x35: {  	s10 =	sld [smem:$0x3FB9];
	_ =	sdelay $0x3  }
0x36: {  	p1 =	seq.s32 s10, $0x1;
	s10 =	sld [smem:$0x3FBA];
	_ =	sdelay $0x3  }
0x37: {  	[smem:$0x3FBA] =	sst s10  }
0x38: {  	s10 =	sld [smem:$0x3FBB]  }
0x39: {  	_ = 	snop;
	(pc) =	sbr.ind lr, $3  }
0x3a: {  	_ = 	snop  }
0x3b: {  	_ = 	snop  }
0x3c: {  	p2 =	seq.s32 s10, $0x1;
	s10 =	sld [smem:$0x3FBA]  }
0x3d: {  	_ =	shalt  }
0x3e: {  	_ =	shalt  }
0x3f: {  	_ =	shalt  }
0x40: {  	_ =	shalt  }
0x41: {  	_ =	shalt  }
0x42: {  	_ =	shalt  }
0x43: {  	_ =	shalt  }
0x44: {  	_ =	shalt  }
0x45: {  	_ =	shalt  }
0x46: {  	_ =	shalt  }
0x47: {  	_ =	shalt  }
0x48: {  	_ =	shalt  }
0x49: {  	_ =	shalt  }
0x4a: {  	_ =	shalt  }
0x4b: {  	_ =	shalt  }
0x4c: {  	_ =	shalt  }
0x4d: {  	_ =	shalt  }
0x4e: {  	_ =	shalt  }
0x4f: {  	_ =	shalt  }
0x50: {  	_ =	shalt  }
0x51: {  	_ =	shalt  }
0x52: {  	_ =	shalt  }
0x53: {  	_ =	shalt  }
0x54: {  	_ =	shalt  }
0x55: {  	_ =	shalt  }
0x56: {  	_ =	shalt  }
0x57: {  	_ =	shalt  }
0x58: {  	_ =	shalt  }
0x59: {  	_ =	shalt  }
0x5a: {  	_ =	shalt  }
0x5b: {  	_ =	shalt  }
0x5c: {  	_ =	shalt  }
0x5d: {  	_ =	shalt  }
0x5e: {  	_ =	shalt  }
0x5f: {  	_ =	shalt  }
0x60: {  	_ =	shalt  }
0x61: {  	_ =	shalt  }
0x62: {  	_ =	shalt  }
0x63: {  	_ =	shalt  }
0x64: {  	_ =	shalt  }
0x65: {  	_ =	shalt  }
0x66: {  	_ =	shalt  }
0x67: {  	_ =	shalt  }
0x68: {  	_ =	shalt  }
0x69: {  	_ =	shalt  }
0x6a: {  	_ =	shalt  }
0x6b: {  	_ =	shalt  }
0x6c: {  	_ =	shalt  }
0x6d: {  	_ =	shalt  }
0x6e: {  	_ =	shalt  }
0x6f: {  	_ =	shalt  }
0x70: {  	_ =	shalt  }
0x71: {  	_ =	shalt  }
0x72: {  	_ =	shalt  }
0x73: {  	_ =	shalt  }
0x74: {  	_ =	shalt  }
0x75: {  	_ =	shalt  }
0x76: {  	_ =	shalt  }
0x77: {  	_ =	shalt  }
0x78: {  	_ =	shalt  }
0x79: {  	_ =	shalt  }
0x7a: {  	_ =	shalt  }
0x7b: {  	_ =	shalt  }
0x7c: {  	_ =	shalt  }
0x7d: {  	_ =	shalt  }
0x7e: {  	_ =	shalt  }
0x7f: {  	_ =	shalt  }
0x80: {  	_ =	shalt  }
0x81: {  	_ =	shalt  }
0x82: {  	_ =	shalt  }
0x83: {  	_ =	shalt  }
0x84: {  	_ =	shalt  }
0x85: {  	_ =	shalt  }
0x86: {  	_ =	shalt  }
0x87: {  	_ =	shalt  }
.Lfunc_end0:
.L_simem_size_0:
called_computation_lowered:
.L_overlay_start_0:
0x88: {  	s2 =	sld [smem:$0x3FD9]  }
0x89: {  	s3 =	sld [smem:$0x3FFE];
	_ =	sdelay $0x1  }
0x8a: {  	s1 =	srdreg.scid  }
0x8b: {  	s0 =	sand.u32 $0x1, s1  }
0x8c: {  	s17 =	sshll.u32 s0, $0xA;
	s2 =	sadd.s32 s3, s2  }
0x8d: {  	s2 =	sadd.s32 s2, s17  }
0x8e: {  	[smem:$0x3FC6] =	sst s2  }
0x8f: {  	_ = 	snop  }
0x90: {  	s2 =	sld [smem:$0x3FC8]  }
0x91: {  	s18 =	sld [smem:$0x3FD0];
	(tm) =	ssettm $0x1  }
0x92: {  	s4 =	sld [smem:$0x3FFB];
	_ =	sdelay $0x3  }
0x93: {  	_ =	strace s4  }
0x94: {  	s4 =	sld [smem:$0x3FFC];
	_ =	sdelay $0x3  }
0x95: {  	_ =	strace s4  }
0x96: {  	s4 =	sld [smem:$0x3FFD];
	_ =	sdelay $0x3  }
0x97: {  	_ =	strace s4  }
0x98: {  	_ =	strace $0x8FFFFFFF  }
0x99: {  	s19 =	sld [smem:$0x3FDB];
	_ =	sdelay $0x1  }
0x9a: {  	s5 =	simm.s32 $_scs_section_size  }
0x9b: {  	s6 =	simm.s32 $_size__tile_overlayer_lowered;
	s7 =	simm.s32 $_tile_overlayer_lowered  }
0x9c: {  	s22 =	simm.s32 $0x1BFF;
	s21 =	sshll.u32 s7, $0x1;
	s4 =	sadd.s32 s5, s19  }
0x9d: {  	s8 =	simm.s32 $0x0;
	s20 =	sshll.u32 s6, $0x1;
	s6 =	sadd.s32 s21, s4  }
0x9e: {  	[timem:s8], [sflag:s22] =	dma.local [hbm:s6], s20  }
0x9f: {  	_ =	swait.ge [sflag:s22], s20  }
0xa0: {  	s5 =	ssub.s32 $0x0, s20;
	[sflag:s22] =	ssyncset.done $0x0  }
0xa1: {  	[sflag:s22] =	ssyncadd.s32 s5;
	_ =	sdelay $0x1  }
0xa2: {  	s23 =	simm.s32 $0x1B8B  }
0xa3: {  	_ =	swait.ge [sflag:s23], $0x1  }
0xa4: {  	[sflag:s23] =	ssyncset.done $0x0  }
0xa5: {  	s25 =	simm.s32 $0x1B8E;
	s24 =	sld [smem:$0x3FFE];
	[sflag:s23] =	ssyncadd.s32 $0xFFFFFFFF  }
0xa6: {  	s26 =	simm.s32 $execute0_lowered;
	[smem:$0x3FD2] =	sst s25  }
0xa7: {  	s6 =	sshll.u32 s26, $0x1;
	_ =	strace $0x80000046;
	[dreg:$0x1] =	wrdreg $0xFFFFFFFF  }
0xa8: {  	s28 =	simm.s32 $_size_execute0_lowered;
	s4 =	sadd.s32 s4, s6;
	[dreg:$0x0] =	wrdreg $0x0  }
0xa9: {  	s6 =	sshll.u32 s28, $0x1;
	[dreg:$0x2] =	wrdreg s4  }
0xaa: {  	[dreg:$0x3] =	wrdreg s6  }
0xab: {  	[dreg:$0x4] =	wrdreg $0xC0  }
0xac: {  	_ =	task [dreg:s8], $0x5FFFF  }
0xad: {  	[dreg:$0x1] =	wrdreg $0xFFFFFFFF  }
0xae: {  	[dreg:$0x0] =	wrdreg $0x60  }
0xaf: {  	[dreg:$0x2] =	wrdreg s24  }
0xb0: {  	[dreg:$0x3] =	wrdreg s2  }
0xb1: {  	[dreg:$0x4] =	wrdreg s18  }
0xb2: {  	[dreg:$0x5] =	wrdreg $0x9  }
0xb3: {  	_ =	task.clear_ibuf [dreg:s8], $0x6FFFF;
	_ =	strace $0x90000046  }
0xb4: {  	s29 =	simm.s32 $0x9;
	_ =	strace $0x80000048  }
0xb5: {  	_ =	swait.ge [sflag:s29], $0x1  }
0xb6: {  	[sflag:s29] =	ssyncadd.s32 $0xFFFFFFFF  }
0xb7: {  	_ =	strace $0x90000048  }
0xb8: {  	_ =	sfence  }
0xb9: {  	s30 =	sld [smem:$0x0];
	_ =	sdelay $0x2  }
0xba: {  	s31 =	sshll.u32 s1, $0xD;
	s1 =	sshrl.u32 s1, $0x2  }
0xbb: {  	s3 =	sand.u32 $0x4000, s31;
	s1 =	sadd.s32 s1, s30  }
0xbc: {  	s0 =	sor.u32 s3, s0;
	s1 =	sshll.u32 s1, $0x11  }
0xbd: {  	s0 =	sor.u32 s1, s0  }
0xbe: {  	s0 =	sadd.s32 $0x8F2B, s0  }
0xbf: {  	[sflag:s0] =	ssyncadd.remote.s32 $0x1  }
0xc0: {  	_ =	sfence.sel $0xFFFF  }
0xc1: {  	[dreg:$0x0] =	wrdreg $0xFFFFFFFF;
	(pc) =	sbr.abs _section_cstart, $3  }
0xc2: {  	[dreg:$0x1] =	wrdreg $0xFFFFFFFF  }
0xc3: {  	_ =	task.clear_ibuf [dreg:s8], $0x2FFFF;
	_ =	strace $0x9FFFFFFF  }
0xc4: {  	(tm) =	ssettm $0x7FFFFFFF  }
0xc5: {  	_ =	shalt  }
tec
execute0_lowered:
.L_overlay_start_1:
0x0: {  	(tag) =	ssettag $0x1  }
0x1: {  	s0 =	rddreg [dreg:$0x0]  }
0x2: {  	s1 =	rddreg [dreg:$0x1]  }
0x3: {  	s2 =	rddreg [dreg:$0x2];
	s3 =	simm.s32 $0x0  }
0x4: {  	s4 =	srdreg.scid;
	s9 =	stileid.u32;
	s12 =	simm.s32 $0x80  }
0x5: {  	s13 =	simm.s32 $0x400;
	s14 =	simm.s32 $0x9;
	s15 =	simm.s32 $0xC8  }
0x6: {  	s16 =	simm.s32 $0x100;
	s17 =	simm.s32 $0x6800;
	s18 =	simm.s32 $0x200  }
0x7: {  	s19 =	simm.s32 $0xCC00;
	s20 =	simm.s32 $0x300;
	s21 =	simm.s32 $0x13000  }
0x8: {  	s22 =	simm.s32 $0x1;
	s28 =	simm.s32 $0x6;
	s29 =	simm.s32 $0x7  }
0x9: {  	s30 =	simm.s32 $0x8;
	s31 =	simm.s32 $0x0;
	[smem:$0x7FF] =	sst s3  }
0xa: {  	s5 =	sand.u32 $0x1, s4;
	s6 =	sshll.u32 s9, $0xB;
	s4 =	sadd.s32 $0x400, s0  }
0xb: {  	s10 =	smul.u32 $0x32000, s9;
	_ =	strace $0x80000047;
	s7 =	sshll.u32 s5, $0xA  }
0xc: {  	s23 =	ssub.s32 $0x2, s5;
	s5 =	smul.u32 $0x19000, s5;
	s6 =	sor.u32 s7, s6  }
0xd: {  	s8 =	sshrl.u32 s23, $0x1;
	[dreg:$0x4] =	wrdreg s6;
	s6 =	sadd.s32 s4, s6  }
.Ltmp0:
0xe: {  	s2 =	sadd.s32 s10, s2;
	s24 =	sadd.s32 $0x10, s6;
	(pc) =	sbr.rel .LBB2_1-.Ltmp0, $4  }
0xf: {  	s0 =	ssub.s32 s23, s8;
	s25 =	sadd.s32 $0x20, s6;
	[dreg:$0x5] =	wrdreg s24  }
0x10: {  	s2 =	sadd.s32 s5, s2;
	s26 =	sadd.s32 $0x30, s6;
	[dreg:$0x6] =	wrdreg s25  }
0x11: {  	s23 =	simm.s32 $0x2;
	s10 =	smax.u32 s0, $0x1;
	[dreg:$0x7] =	wrdreg s26  }
0x12: {  	s24 =	simm.s32 $0x3;
	s25 =	simm.s32 $0x4;
	s26 =	simm.s32 $0x5  }
.LBB2_4:
0x13: {  	_ =	swait.ge [sflag:s28], $0x6400  }
0x14: {  	[sflag:s28] =	ssyncset.done $0x0  }
0x15: {  	s31 =	sadd.s32 $0x1, s31;
	[sflag:s28] =	ssyncadd.s32 $0xFFFF9C00  }
0x16: {  	p0 =	sne.s32 s31, s10;
	_ =	swait.ge [sflag:s29], $0x6400  }
.Ltmp1:
0x17: {  	[sflag:s29] =	ssyncset.done $0x0;
	(pc) =	sbr.rel @!p0 .LBB2_5-.Ltmp1, $4  }
0x18: {  	[sflag:s29] =	ssyncadd.s32 $0xFFFF9C00  }
0x19: {  	_ =	swait.ge [sflag:s30], $0x6400  }
0x1a: {  	[sflag:s30] =	ssyncset.done $0x0  }
0x1b: {  	[sflag:s30] =	ssyncadd.s32 $0xFFFF9C00  }
.LBB2_1:
0x1c: {  	[tilespmem:s3], [sflag:$0x9] =	stream.strided.gather [hbm4b:s6+s12], $0x100, s13, s12, $0x38;
	[tilespmem:$0x19400] =	vst v63  }
0x1d: {  	_ =	swait.ge [sflag:s14], $0x100  }
0x1e: {  	[sflag:s14] =	ssyncset.done $0x0  }
0x1f: {  	[sflag:s14] =	ssyncadd.s32 $0xFFFFFF00  }
0x20: {  	[tilespmem:s13], [sflag:$0x1] =	stream.indirect.gather [hbm4b:s1+s15], $0x80, s3, s15, $0xb8;
	[tilespmem:$0x19400] =	vst v63  }
0x21: {  	s0 =	rddreg [dreg:$0x5]  }
0x22: {  	[tilespmem:s16], [sflag:$0x9] =	stream.strided.gather [hbm4b:s0+s12], $0x100, s13, s12, $0x38;
	[tilespmem:$0x19400] =	vst v63  }
0x23: {  	_ =	swait.ge [sflag:s14], $0x100  }
0x24: {  	[sflag:s14] =	ssyncset.done $0x0  }
0x25: {  	[sflag:s14] =	ssyncadd.s32 $0xFFFFFF00  }
0x26: {  	[tilespmem:s17], [sflag:$0x2] =	stream.indirect.gather [hbm4b:s1+s15], $0x80, s16, s15, $0xb8;
	[tilespmem:$0x19400] =	vst v63  }
0x27: {  	s9 =	rddreg [dreg:$0x6]  }
0x28: {  	[tilespmem:s18], [sflag:$0x9] =	stream.strided.gather [hbm4b:s9+s12], $0x100, s13, s12, $0x38;
	[tilespmem:$0x19400] =	vst v63  }
0x29: {  	_ =	swait.ge [sflag:s14], $0x100  }
0x2a: {  	[sflag:s14] =	ssyncset.done $0x0  }
0x2b: {  	[sflag:s14] =	ssyncadd.s32 $0xFFFFFF00  }
0x2c: {  	[tilespmem:s19], [sflag:$0x3] =	stream.indirect.gather [hbm4b:s1+s15], $0x80, s18, s15, $0xb8;
	[tilespmem:$0x19400] =	vst v63  }
0x2d: {  	s11 =	rddreg [dreg:$0x7]  }
0x2e: {  	[tilespmem:s20], [sflag:$0x9] =	stream.strided.gather [hbm4b:s11+s12], $0x100, s13, s12, $0x38;
	[tilespmem:$0x19400] =	vst v63  }
0x2f: {  	_ =	swait.ge [sflag:s14], $0x100  }
0x30: {  	s0 =	simm.s32 $0x70;
	[sflag:s14] =	ssyncset.done $0x0  }
0x31: {  	s11 =	smov.u32 s2;
	s5 =	rddreg [dreg:$0x4];
	[sflag:s14] =	ssyncadd.s32 $0xFFFFFF00  }
0x32: {  	[tilespmem:s21], [sflag:$0x4] =	stream.indirect.gather [hbm4b:s1+s15], $0x80, s20, s15, $0xb8;
	[tilespmem:$0x19400] =	vst v63  }
.LBB2_2:
0x33: {  	_ =	swait.ge [sflag:s22], $0x6400  }
0x34: {  	[sflag:s22] =	ssyncset.done $0x0  }
0x35: {  	[sflag:s22] =	ssyncadd.s32 $0xFFFF9C00  }
0x36: {  	[hbm4b:s11+s3] =	stream.linear.scatter [tilespmem:s13], [sflag:$0x5], $0x6400, $0x38;
	[tilespmem:$0x19400] =	vst v63  }
0x37: {  	_ =	swait.ge [sflag:s23], $0x6400  }
0x38: {  	[sflag:s23] =	ssyncset.done $0x0  }
0x39: {  	s7 =	sadd.s32 $0xC80, s11;
	[sflag:s23] =	ssyncadd.s32 $0xFFFF9C00  }
0x3a: {  	[hbm4b:s7+s3] =	stream.linear.scatter [tilespmem:s17], [sflag:$0x6], $0x6400, $0x38;
	[tilespmem:$0x19400] =	vst v63  }
0x3b: {  	_ =	swait.ge [sflag:s24], $0x6400  }
0x3c: {  	[sflag:s24] =	ssyncset.done $0x0  }
0x3d: {  	s8 =	sadd.s32 $0x1900, s11;
	[sflag:s24] =	ssyncadd.s32 $0xFFFF9C00  }
0x3e: {  	[hbm4b:s8+s3] =	stream.linear.scatter [tilespmem:s19], [sflag:$0x7], $0x6400, $0x38;
	[tilespmem:$0x19400] =	vst v63  }
0x3f: {  	_ =	swait.ge [sflag:s25], $0x6400  }
0x40: {  	p0 =	seq.s32 s0, $0x230;
	[sflag:s25] =	ssyncset.done $0x0  }
.Ltmp2:
0x41: {  	s9 =	sadd.s32 $0x2580, s11;
	[sflag:s25] =	ssyncadd.s32 $0xFFFF9C00;
	(pc) =	sbr.rel @p0 .LBB2_4-.Ltmp2, $4  }
0x42: {  	[hbm4b:s9+s3] =	stream.linear.scatter [tilespmem:s21], [sflag:$0x8], $0x6400, $0x38;
	[tilespmem:$0x19400] =	vst v63  }
0x43: {  	_ =	swait.ge [sflag:s26], $0x6400  }
0x44: {  	[sflag:s26] =	ssyncset.done $0x0  }
0x45: {  	[sflag:s26] =	ssyncadd.s32 $0xFFFF9C00  }
0x46: {  	s7 =	sadd.s32 $0xFFFFFFD0, s0  }
0x47: {  	s8 =	sadd.s32 $0x80, s5;
	s7 =	sand.u32 $0x40, s7  }
0x48: {  	s9 =	sand.u32 $0xFF00, s8;
	s7 =	sadd.s32 s4, s7  }
0x49: {  	s7 =	sadd.s32 s9, s7  }
0x4a: {  	[tilespmem:s3], [sflag:$0x9] =	stream.strided.gather [hbm4b:s7+s12], $0x100, s13, s12, $0x38;
	[tilespmem:$0x19400] =	vst v63  }
0x4b: {  	_ =	swait.ge [sflag:s14], $0x100  }
0x4c: {  	[sflag:s14] =	ssyncset.done $0x0  }
0x4d: {  	s7 =	sadd.s32 $0xFFFFFFE0, s0;
	[sflag:s14] =	ssyncadd.s32 $0xFFFFFF00  }
0x4e: {  	[tilespmem:s13], [sflag:$0x1] =	stream.indirect.gather [hbm4b:s1+s15], $0x80, s3, s15, $0xb8;
	[tilespmem:$0x19400] =	vst v63  }
0x4f: {  	s9 =	sadd.s32 $0xA0, s5;
	s7 =	sand.u32 $0x50, s7;
	_ =	swait.ge [sflag:s28], $0x6400  }
0x50: {  	s9 =	sand.u32 $0xFF00, s9;
	s7 =	sadd.s32 s4, s7;
	[sflag:s28] =	ssyncset.done $0x0  }
0x51: {  	s7 =	sadd.s32 s9, s7;
	[sflag:s28] =	ssyncadd.s32 $0xFFFF9C00  }
0x52: {  	[tilespmem:s16], [sflag:$0x9] =	stream.strided.gather [hbm4b:s7+s12], $0x100, s13, s12, $0x38;
	[tilespmem:$0x19400] =	vst v63  }
0x53: {  	_ =	swait.ge [sflag:s14], $0x100  }
0x54: {  	[sflag:s14] =	ssyncset.done $0x0  }
0x55: {  	s7 =	sadd.s32 $0xFFFFFFF0, s0;
	[sflag:s14] =	ssyncadd.s32 $0xFFFFFF00  }
0x56: {  	[tilespmem:s17], [sflag:$0x2] =	stream.indirect.gather [hbm4b:s1+s15], $0x80, s16, s15, $0xb8;
	[tilespmem:$0x19400] =	vst v63  }
0x57: {  	s9 =	sadd.s32 $0xC0, s5;
	s7 =	sand.u32 $0x60, s7;
	_ =	swait.ge [sflag:s29], $0x6400  }
0x58: {  	s9 =	sand.u32 $0xFF00, s9;
	s7 =	sadd.s32 s4, s7;
	[sflag:s29] =	ssyncset.done $0x0  }
0x59: {  	s7 =	sadd.s32 s9, s7;
	[sflag:s29] =	ssyncadd.s32 $0xFFFF9C00  }
0x5a: {  	[tilespmem:s18], [sflag:$0x9] =	stream.strided.gather [hbm4b:s7+s12], $0x100, s13, s12, $0x38;
	[tilespmem:$0x19400] =	vst v63  }
0x5b: {  	_ =	swait.ge [sflag:s14], $0x100  }
0x5c: {  	[sflag:s14] =	ssyncset.done $0x0  }
0x5d: {  	[sflag:s14] =	ssyncadd.s32 $0xFFFFFF00  }
0x5e: {  	[tilespmem:s19], [sflag:$0x3] =	stream.indirect.gather [hbm4b:s1+s15], $0x80, s18, s15, $0xb8;
	[tilespmem:$0x19400] =	vst v63  }
0x5f: {  	s9 =	sand.u32 $0x70, s0;
	s7 =	sadd.s32 $0xE0, s5;
	_ =	swait.ge [sflag:s30], $0x6400  }
0x60: {  	s5 =	sand.u32 $0xFF00, s7;
	s7 =	sadd.s32 s4, s9;
	[sflag:s30] =	ssyncset.done $0x0  }
0x61: {  	s5 =	sadd.s32 s5, s7;
	[sflag:s30] =	ssyncadd.s32 $0xFFFF9C00  }
0x62: {  	[tilespmem:s20], [sflag:$0x9] =	stream.strided.gather [hbm4b:s5+s12], $0x100, s13, s12, $0x38;
	[tilespmem:$0x19400] =	vst v63  }
.Ltmp3:
0x63: {  	_ = 	snop;
	(pc) =	sbr.rel .LBB2_2-.Ltmp3, $4  }
0x64: {  	_ =	swait.ge [sflag:s14], $0x100  }
0x65: {  	s11 =	sadd.s32 $0x3200, s11;
	[sflag:s14] =	ssyncset.done $0x0  }
0x66: {  	s0 =	sadd.s32 $0x40, s0;
	s5 =	smov.u32 s8;
	[sflag:s14] =	ssyncadd.s32 $0xFFFFFF00  }
0x67: {  	[tilespmem:s21], [sflag:$0x4] =	stream.indirect.gather [hbm4b:s1+s15], $0x80, s20, s15, $0xb8;
	[tilespmem:$0x19400] =	vst v63  }
.LBB2_5:
0x68: {  	_ =	sfence.sel $0x180000  }
0x69: {  	[bflag:$0x0] =	sbarrier.arrive $0xFFFF  }
0x6a: {  	_ =	strace $0x90000047  }
0x6b: {  	s0 =	stileid.u32;
	[bflag:$0x2] =	sbarrier.arrive $0xFFFF  }
0x6c: {  	p0 =	sne.s32 s0, $0x0;
	s0 =	rddreg [dreg:$0x3]  }
0x6d: {  	s0 =	sadd.s32 @!p0 $0x100000, s0  }
0x6e: {  	[sflag:s0] =	ssyncadd.tile.s32 @!p0 $0x1;
	_ =	shalt  }
.Lfunc_end2:
_tile_overlayer_lowered:
.L_overlay_start_2:
0x6f: {  	(tag) =	ssettag $0x2  }
0x70: {  	s0 =	rddreg [dreg:$0x0];
	s2 =	stileid.u32  }
0x71: {  	s1 =	rddreg [dreg:$0x1];
	p0 =	sne.s32 s2, $0x0  }
0x72: {  	s3 =	rddreg [dreg:$0x2];
	[bflag:$0x3] =	sbarrier.arrive $0xFFFF;
	s2 =	simm.s32 @!p0 $0x1C09  }
0x73: {  	[timem:s3], [sflag:s2] =	dma.local @!p0 [hbm:s0], s1  }
0x74: {  	s0 =	simm.s32 @!p0 $0x9  }
0x75: {  	_ =	swait.ge @!p0 [sflag:s0], s1  }
0x76: {  	s1 =	ssub.s32 @!p0 $0x0, s1;
	[sflag:s0] =	ssyncset.done @!p0 $0x0  }
0x77: {  	[sflag:s0] =	ssyncadd.s32 @!p0 s1  }
0x78: {  	[bflag:$0x3] =	sbarrier.arrive $0xFFFF  }
0x79: {  	_ =	shalt  }

</sc_bundles>
